<compile_context>
chip_gen: v7x
topology: tpu7x:2x2x1
jax: 0.10.2.dev20260603
libtpu: 0.0.44.dev20260713+nightly
codegen_flags: <defaults>
</compile_context>

<pallas_src>
import functools

import jax
import jax.numpy as jnp
from jax import lax
from jax.experimental import pallas as pl
from jax.experimental.pallas import tpu as pltpu
from jax.experimental.pallas import tpu_sc as plsc



def _transform_body(frozen_ref, w_ref, cb_ref):
    cb_ref[...] = lax.dot_general(
        frozen_ref[...], w_ref[...],
        dimension_numbers=(((1,), (1,)), ((), ())),
        preferred_element_type=jnp.float32)


def _transform(frozen, W, bk=1024):
    K, D = frozen.shape
    grid = (K // bk,)
    return pl.pallas_call(
        _transform_body,
        grid=grid,
        in_specs=[
            pl.BlockSpec((bk, D), lambda i: (i, 0)),
            pl.BlockSpec((D, D), lambda i: (0, 0)),
        ],
        out_specs=pl.BlockSpec((bk, D), lambda i: (i, 0)),
        out_shape=jax.ShapeDtypeStruct((K, D), jnp.float32),
    )(frozen, W)



def _argmin_body(xn_ref, x_ref, cb_ref, cn_ref, idx_ref, min_ref, amin_ref,
                 *, bm, bn):
    j = pl.program_id(1)

    @pl.when(j == 0)
    def _():
        min_ref[...] = jnp.full_like(min_ref, jnp.inf)
        amin_ref[...] = jnp.zeros_like(amin_ref)

    dots = lax.dot_general(
        cb_ref[...], x_ref[...],
        dimension_numbers=(((1,), (1,)), ((), ())),
        preferred_element_type=jnp.float32)
    sq = (xn_ref[...].reshape(1, bm) - 2.0 * dots) + cn_ref[...]

    rmin_sq = jnp.min(sq, axis=0, keepdims=True)
    m = jnp.sqrt(jnp.maximum(rmin_sq, 0.0))
    t = jnp.maximum(rmin_sq, 0.0)
    for _ in range(6):
        nxt = lax.bitcast_convert_type(
            lax.bitcast_convert_type(t, jnp.int32) + 1, jnp.float32)
        t = jnp.where(jnp.sqrt(nxt) == m, nxt, t)

    rows = lax.broadcasted_iota(jnp.int32, sq.shape, 0) + j * bn
    ridx = jnp.min(
        jnp.where(sq <= t, rows, jnp.int32(2**31 - 1)),
        axis=0, keepdims=True)

    better = m < min_ref[...]
    min_ref[...] = jnp.where(better, m, min_ref[...])
    amin_ref[...] = jnp.where(better, ridx, amin_ref[...])

    @pl.when(j == pl.num_programs(1) - 1)
    def _():
        idx_ref[...] = amin_ref[...].reshape(1, 1, bm)


def _argmin(xn, x_flat, cb, cn_row, bm=1024, bn=2048):
    N, D = x_flat.shape
    K = cb.shape[0]
    nt = K // bn
    mt = N // bm
    cn_col = cn_row.reshape(K, 1)
    xn3 = xn.reshape(mt, 1, bm)
    grid = (mt, nt)
    out = pl.pallas_call(
        functools.partial(_argmin_body, bm=bm, bn=bn),
        grid=grid,
        in_specs=[
            pl.BlockSpec((1, 1, bm), lambda i, j: (i, 0, 0)),
            pl.BlockSpec((bm, D), lambda i, j: (i, 0)),
            pl.BlockSpec((bn, D), lambda i, j: (j, 0)),
            pl.BlockSpec((bn, 1), lambda i, j: (j, 0)),
        ],
        out_specs=pl.BlockSpec((1, 1, bm), lambda i, j: (i, 0, 0)),
        out_shape=jax.ShapeDtypeStruct((mt, 1, bm), jnp.int32),
        scratch_shapes=[
            pltpu.VMEM((1, bm), jnp.float32),
            pltpu.VMEM((1, bm), jnp.int32),
        ],
        compiler_params=pltpu.CompilerParams(
            dimension_semantics=("arbitrary", "arbitrary")),
    )(xn3, x_flat, cb, cn_col)
    return out



def _make_gather(V, D, B):
    info = plsc.get_sparse_core_info()
    NC, NS = info.num_cores, info.num_subcores
    NW = NC * NS
    nchunks = B // 128
    cpw = nchunks // NW
    mesh = plsc.VectorSubcoreMesh(core_axis_name="c", subcore_axis_name="s")

    @functools.partial(
        pl.kernel, mesh=mesh,
        out_type=jax.ShapeDtypeStruct((B, D), jnp.float32),
        scratch_types=[
            pltpu.VMEM((128,), jnp.int32),
            pltpu.VMEM((128,), jnp.int32),
            pltpu.VMEM((128, D), jnp.float32),
            pltpu.VMEM((128, D), jnp.float32),
            pltpu.SemaphoreType.DMA,
            pltpu.SemaphoreType.DMA,
        ],
    )
    def k(table_hbm, idx_hbm, out_hbm, idx_v0, idx_v1, rows_v0, rows_v1,
          sem0, sem1):
        wid = lax.axis_index("s") * NC + lax.axis_index("c")
        c0 = wid * cpw
        c1 = wid * cpw + 1
        pltpu.sync_copy(idx_hbm.at[c0], idx_v0)
        g0 = pltpu.async_copy(table_hbm.at[idx_v0], rows_v0, sem0)
        pltpu.sync_copy(idx_hbm.at[c1], idx_v1)
        g1 = pltpu.async_copy(table_hbm.at[idx_v1], rows_v1, sem1)
        g0.wait()
        pltpu.sync_copy(rows_v0, out_hbm.at[pl.ds(c0 * 128, 128)])
        g1.wait()
        pltpu.sync_copy(rows_v1, out_hbm.at[pl.ds(c1 * 128, 128)])

    return k



def kernel(x, frozen_codebook, W):
    input_shape = x.shape
    D = input_shape[-1]
    K = frozen_codebook.shape[0]
    x_flat = x.reshape(-1, D)
    N = x_flat.shape[0]

    cb = _transform(frozen_codebook, W)
    cn_row = jnp.sum(cb * cb, axis=1)
    xn = jnp.sum(x_flat * x_flat, axis=1)
    idx = _argmin(xn, x_flat, cb, cn_row).reshape(N)

    quant = _make_gather(K, D, N)(cb, idx.reshape(N // 128, 128))

    return (quant.reshape(input_shape),
            idx.reshape(input_shape[:-1]),
            jnp.zeros((), jnp.float32))

# --- scband reference (transcript-rebuilt; emitter-appended) ---
"""Pipeline reference for scband-sim-di-ve-q-73839077753415 (READ-ONLY COPY).

The authoritative reference and input builder live on the scoring server;
editing this copy changes nothing except your own understanding.
"""

import jax, jax.numpy as jnp
import numpy as np


def setup_inputs(seed: int = 0) -> dict:
    key = jax.random.key(seed)
    k1, k2, k3 = jax.random.split(key, 3)
    B, T, D, K = 8, 1024, 256, 8192
    x = jax.random.normal(k1, (B, T, D), dtype=jnp.float32)
    # frozen buffer: randn(K, frozen_dim) * frozen_dim**-0.5
    frozen_codebook = jax.random.normal(k2, (K, D), dtype=jnp.float32) * (D ** -0.5)
    # nn.Linear(frozen_dim, dim, bias=False) weight: (dim, frozen_dim), kaiming-uniform-ish
    bound = 1.0 / (D ** 0.5)
    W = jax.random.uniform(k3, (D, D), dtype=jnp.float32, minval=-bound, maxval=bound)
    return {"x": x, "frozen_codebook": frozen_codebook, "W": W}


def reference(x, frozen_codebook, W):
    eps = 1e-05
    input_shape = x.shape
    D = input_shape[-1]
    x_flat = x.reshape(-1, D)
    # implicit codebook = code_transform(frozen_codebook) = frozen_codebook @ W.T
    implicit_codebook = frozen_codebook @ W.T
    # nearest-neighbor search under no_grad (torch.cdist + argmin)
    xf = jax.lax.stop_gradient(x_flat)
    cb = jax.lax.stop_gradient(implicit_codebook)
    sq = jnp.sum(xf * xf, axis=1)[:, None] - 2.0 * (xf @ cb.T) + jnp.sum(cb * cb, axis=1)[None, :]
    dist = jnp.sqrt(jnp.maximum(sq, 0.0))
    indices = jnp.argmin(dist, axis=-1)
    # F.embedding(indices, implicit_codebook) -> gather
    quantized = jnp.take(implicit_codebook, indices, axis=0)
    diff = quantized - x_flat
    dist_magnitude = jnp.linalg.norm(diff, axis=-1, keepdims=True)
    direction = diff / jnp.maximum(dist_magnitude, eps)
    # DiVeQ gradient trick: direction is detached, magnitude carries grads
    quantized_out = x_flat + dist_magnitude * jax.lax.stop_gradient(direction)
    quantized_out = quantized_out.reshape(input_shape)
    indices = indices.reshape(input_shape[:-1])
    loss = jnp.array(0.0, dtype=jnp.float32)
    return (quantized_out, indices, loss)

if __name__ == "__main__":
    import jax
    _d = setup_inputs()
    print(jax.jit(kernel)(*tuple(_d.values())))

</pallas_src>

<mosaic_0001>
#map = affine_map<(d0, d1) -> (0, 0)>
module attributes {stable_mosaic.version = 14 : i64} {
  func.func @k(%arg0: i32, %arg1: i32, %arg2: memref<8192x256xf32, #tpu.memory_space<hbm>>, %arg3: memref<64x128xi32, #tpu.memory_space<hbm>>, %arg4: memref<8192x256xf32, #tpu.memory_space<hbm>>, %arg5: memref<128xi32, #tpu.memory_space<vmem>>, %arg6: memref<128xi32, #tpu.memory_space<vmem>>, %arg7: memref<128x256xf32, #tpu.memory_space<vmem>>, %arg8: memref<128x256xf32, #tpu.memory_space<vmem>>, %arg9: memref<!tpu.dma_semaphore, #tpu.memory_space<semaphore_mem>>, %arg10: memref<!tpu.dma_semaphore, #tpu.memory_space<semaphore_mem>>) attributes {dimension_semantics = [#tpu.dimension_semantics<core_parallel>, #tpu.dimension_semantics<subcore_parallel>], iteration_bounds = array<i64: 2, 16>, scalar_prefetch = 0 : i64, scratch_operands = 6 : i64, tpu.core_type = #tpu.core_type<sc_vector_subcore>, window_params = [{transform_indices = #map}, {transform_indices = #map}, {transform_indices = #map}]} {
    %mul3A = arith.constant 2 : i32
    %mul3A_0 = arith.muli %arg1, %mul3A : i32
    %add3A = arith.addi %mul3A_0, %arg0 : i32
    %mul3A_1 = arith.constant 2 : i32
    %mul3A_2 = arith.muli %add3A, %mul3A_1 : i32
    %mul3A_3 = arith.constant 2 : i32
    %mul3A_4 = arith.muli %add3A, %mul3A_3 : i32
    %add3A_5 = arith.constant 1 : i32
    %add3A_6 = arith.addi %mul3A_4, %add3A_5 : i32
    "tpu.region"() ({
      %run_scoped3A = tpu.sem_alloc : memref<!tpu.dma_semaphore, #tpu.memory_space<semaphore_mem>>
      %dma_start3A_21 = arith.constant 0 : i32
      %dma_start3A_22 = tpu.memref_slice %arg3[%mul3A_2, %dma_start3A_21] : memref<64x128xi32, #tpu.memory_space<hbm>> -> memref<1x128xi32, #tpu.memory_space<hbm>>
      %dma_start3A_23 = tpu.memref_squeeze %dma_start3A_22 : memref<1x128xi32, #tpu.memory_space<hbm>> -> memref<128xi32, #tpu.memory_space<hbm>>
      %dma_start3A_24 = arith.constant 0 : i32
      %dma_start3A_25 = tpu.memref_slice %arg3[%mul3A_2, %dma_start3A_24] : memref<64x128xi32, #tpu.memory_space<hbm>> -> memref<1x128xi32, #tpu.memory_space<hbm>>
      %dma_start3A_26 = tpu.memref_squeeze %dma_start3A_25 : memref<1x128xi32, #tpu.memory_space<hbm>> -> memref<128xi32, #tpu.memory_space<hbm>>
      tpu.enqueue_dma source(%dma_start3A_26 : memref<128xi32, #tpu.memory_space<hbm>>) target(%arg5 : memref<128xi32, #tpu.memory_space<vmem>>) target_semaphore(%run_scoped3A : memref<!tpu.dma_semaphore, #tpu.memory_space<semaphore_mem>>)
      %dma_wait3A_27 = arith.constant 0 : i32
      %dma_wait3A_28 = tpu.memref_slice %arg3[%mul3A_2, %dma_wait3A_27] : memref<64x128xi32, #tpu.memory_space<hbm>> -> memref<1x128xi32, #tpu.memory_space<hbm>>
      %dma_wait3A_29 = tpu.memref_squeeze %dma_wait3A_28 : memref<1x128xi32, #tpu.memory_space<hbm>> -> memref<128xi32, #tpu.memory_space<hbm>>
      %dma_wait3A_30 = arith.constant 0 : i32
      %dma_wait3A_31 = tpu.memref_slice %arg3[%mul3A_2, %dma_wait3A_30] : memref<64x128xi32, #tpu.memory_space<hbm>> -> memref<1x128xi32, #tpu.memory_space<hbm>>
      %dma_wait3A_32 = tpu.memref_squeeze %dma_wait3A_31 : memref<1x128xi32, #tpu.memory_space<hbm>> -> memref<128xi32, #tpu.memory_space<hbm>>
      tpu.wait_dma2 semaphore(%run_scoped3A : memref<!tpu.dma_semaphore, #tpu.memory_space<semaphore_mem>>) src(%dma_wait3A_32 : memref<128xi32, #tpu.memory_space<hbm>>) dst(%arg5 : memref<128xi32, #tpu.memory_space<vmem>>)
      tpu.yield
    }) : () -> ()
    %dma_start3A = arith.constant 0 : i32
    %dma_start3A_7 = arith.constant 0 : i32
    %dma_start3A_8 = tpu.memref_slice %arg2[%dma_start3A, %dma_start3A_7] : memref<8192x256xf32, #tpu.memory_space<hbm>> -> memref<8192x256xf32, #tpu.memory_space<hbm>>
    tpu.enqueue_indirect_dma source(%dma_start3A_8 : memref<8192x256xf32, #tpu.memory_space<hbm>>) target(%arg7 : memref<128x256xf32, #tpu.memory_space<vmem>>) offsets(%arg5 : memref<128xi32, #tpu.memory_space<vmem>>) semaphore(%arg9 : memref<!tpu.dma_semaphore, #tpu.memory_space<semaphore_mem>>)
    "tpu.region"() ({
      %run_scoped3A = tpu.sem_alloc : memref<!tpu.dma_semaphore, #tpu.memory_space<semaphore_mem>>
      %dma_start3A_21 = arith.constant 0 : i32
      %dma_start3A_22 = tpu.memref_slice %arg3[%add3A_6, %dma_start3A_21] : memref<64x128xi32, #tpu.memory_space<hbm>> -> memref<1x128xi32, #tpu.memory_space<hbm>>
      %dma_start3A_23 = tpu.memref_squeeze %dma_start3A_22 : memref<1x128xi32, #tpu.memory_space<hbm>> -> memref<128xi32, #tpu.memory_space<hbm>>
      %dma_start3A_24 = arith.constant 0 : i32
      %dma_start3A_25 = tpu.memref_slice %arg3[%add3A_6, %dma_start3A_24] : memref<64x128xi32, #tpu.memory_space<hbm>> -> memref<1x128xi32, #tpu.memory_space<hbm>>
      %dma_start3A_26 = tpu.memref_squeeze %dma_start3A_25 : memref<1x128xi32, #tpu.memory_space<hbm>> -> memref<128xi32, #tpu.memory_space<hbm>>
      tpu.enqueue_dma source(%dma_start3A_26 : memref<128xi32, #tpu.memory_space<hbm>>) target(%arg6 : memref<128xi32, #tpu.memory_space<vmem>>) target_semaphore(%run_scoped3A : memref<!tpu.dma_semaphore, #tpu.memory_space<semaphore_mem>>)
      %dma_wait3A_27 = arith.constant 0 : i32
      %dma_wait3A_28 = tpu.memref_slice %arg3[%add3A_6, %dma_wait3A_27] : memref<64x128xi32, #tpu.memory_space<hbm>> -> memref<1x128xi32, #tpu.memory_space<hbm>>
      %dma_wait3A_29 = tpu.memref_squeeze %dma_wait3A_28 : memref<1x128xi32, #tpu.memory_space<hbm>> -> memref<128xi32, #tpu.memory_space<hbm>>
      %dma_wait3A_30 = arith.constant 0 : i32
      %dma_wait3A_31 = tpu.memref_slice %arg3[%add3A_6, %dma_wait3A_30] : memref<64x128xi32, #tpu.memory_space<hbm>> -> memref<1x128xi32, #tpu.memory_space<hbm>>
      %dma_wait3A_32 = tpu.memref_squeeze %dma_wait3A_31 : memref<1x128xi32, #tpu.memory_space<hbm>> -> memref<128xi32, #tpu.memory_space<hbm>>
      tpu.wait_dma2 semaphore(%run_scoped3A : memref<!tpu.dma_semaphore, #tpu.memory_space<semaphore_mem>>) src(%dma_wait3A_32 : memref<128xi32, #tpu.memory_space<hbm>>) dst(%arg6 : memref<128xi32, #tpu.memory_space<vmem>>)
      tpu.yield
    }) : () -> ()
    %dma_start3A_9 = arith.constant 0 : i32
    %dma_start3A_10 = arith.constant 0 : i32
    %dma_start3A_11 = tpu.memref_slice %arg2[%dma_start3A_9, %dma_start3A_10] : memref<8192x256xf32, #tpu.memory_space<hbm>> -> memref<8192x256xf32, #tpu.memory_space<hbm>>
    tpu.enqueue_indirect_dma source(%dma_start3A_11 : memref<8192x256xf32, #tpu.memory_space<hbm>>) target(%arg8 : memref<128x256xf32, #tpu.memory_space<vmem>>) offsets(%arg6 : memref<128xi32, #tpu.memory_space<vmem>>) semaphore(%arg10 : memref<!tpu.dma_semaphore, #tpu.memory_space<semaphore_mem>>)
    %dma_wait3A = arith.constant 0 : i32
    %dma_wait3A_12 = arith.constant 0 : i32
    %dma_wait3A_13 = tpu.memref_slice %arg2[%dma_wait3A, %dma_wait3A_12] : memref<8192x256xf32, #tpu.memory_space<hbm>> -> memref<8192x256xf32, #tpu.memory_space<hbm>>
    tpu.wait_indirect_dma semaphore(%arg9 : memref<!tpu.dma_semaphore, #tpu.memory_space<semaphore_mem>>) src(%dma_wait3A_13 : memref<8192x256xf32, #tpu.memory_space<hbm>>) dst(%arg7 : memref<128x256xf32, #tpu.memory_space<vmem>>)
    %mul3A_14 = arith.constant 128 : i32
    %mul3A_15 = arith.muli %mul3A_2, %mul3A_14 : i32
    "tpu.region"() ({
      %run_scoped3A = tpu.sem_alloc : memref<!tpu.dma_semaphore, #tpu.memory_space<semaphore_mem>>
      %dma_start3A_21 = arith.constant 0 : i32
      %dma_start3A_22 = tpu.memref_slice %arg4[%mul3A_15, %dma_start3A_21] : memref<8192x256xf32, #tpu.memory_space<hbm>> -> memref<128x256xf32, #tpu.memory_space<hbm>>
      %dma_start3A_23 = arith.constant 0 : i32
      %dma_start3A_24 = tpu.memref_slice %arg4[%mul3A_15, %dma_start3A_23] : memref<8192x256xf32, #tpu.memory_space<hbm>> -> memref<128x256xf32, #tpu.memory_space<hbm>>
      tpu.enqueue_dma source(%arg7 : memref<128x256xf32, #tpu.memory_space<vmem>>) target(%dma_start3A_24 : memref<128x256xf32, #tpu.memory_space<hbm>>) target_semaphore(%run_scoped3A : memref<!tpu.dma_semaphore, #tpu.memory_space<semaphore_mem>>)
      %dma_wait3A_25 = arith.constant 0 : i32
      %dma_wait3A_26 = tpu.memref_slice %arg4[%mul3A_15, %dma_wait3A_25] : memref<8192x256xf32, #tpu.memory_space<hbm>> -> memref<128x256xf32, #tpu.memory_space<hbm>>
      %dma_wait3A_27 = arith.constant 0 : i32
      %dma_wait3A_28 = tpu.memref_slice %arg4[%mul3A_15, %dma_wait3A_27] : memref<8192x256xf32, #tpu.memory_space<hbm>> -> memref<128x256xf32, #tpu.memory_space<hbm>>
      tpu.wait_dma2 semaphore(%run_scoped3A : memref<!tpu.dma_semaphore, #tpu.memory_space<semaphore_mem>>) src(%arg7 : memref<128x256xf32, #tpu.memory_space<vmem>>) dst(%dma_wait3A_28 : memref<128x256xf32, #tpu.memory_space<hbm>>)
      tpu.yield
    }) : () -> ()
    %dma_wait3A_16 = arith.constant 0 : i32
    %dma_wait3A_17 = arith.constant 0 : i32
    %dma_wait3A_18 = tpu.memref_slice %arg2[%dma_wait3A_16, %dma_wait3A_17] : memref<8192x256xf32, #tpu.memory_space<hbm>> -> memref<8192x256xf32, #tpu.memory_space<hbm>>
    tpu.wait_indirect_dma semaphore(%arg10 : memref<!tpu.dma_semaphore, #tpu.memory_space<semaphore_mem>>) src(%dma_wait3A_18 : memref<8192x256xf32, #tpu.memory_space<hbm>>) dst(%arg8 : memref<128x256xf32, #tpu.memory_space<vmem>>)
    %mul3A_19 = arith.constant 128 : i32
    %mul3A_20 = arith.muli %add3A_6, %mul3A_19 : i32
    "tpu.region"() ({
      %run_scoped3A = tpu.sem_alloc : memref<!tpu.dma_semaphore, #tpu.memory_space<semaphore_mem>>
      %dma_start3A_21 = arith.constant 0 : i32
      %dma_start3A_22 = tpu.memref_slice %arg4[%mul3A_20, %dma_start3A_21] : memref<8192x256xf32, #tpu.memory_space<hbm>> -> memref<128x256xf32, #tpu.memory_space<hbm>>
      %dma_start3A_23 = arith.constant 0 : i32
      %dma_start3A_24 = tpu.memref_slice %arg4[%mul3A_20, %dma_start3A_23] : memref<8192x256xf32, #tpu.memory_space<hbm>> -> memref<128x256xf32, #tpu.memory_space<hbm>>
      tpu.enqueue_dma source(%arg8 : memref<128x256xf32, #tpu.memory_space<vmem>>) target(%dma_start3A_24 : memref<128x256xf32, #tpu.memory_space<hbm>>) target_semaphore(%run_scoped3A : memref<!tpu.dma_semaphore, #tpu.memory_space<semaphore_mem>>)
      %dma_wait3A_25 = arith.constant 0 : i32
      %dma_wait3A_26 = tpu.memref_slice %arg4[%mul3A_20, %dma_wait3A_25] : memref<8192x256xf32, #tpu.memory_space<hbm>> -> memref<128x256xf32, #tpu.memory_space<hbm>>
      %dma_wait3A_27 = arith.constant 0 : i32
      %dma_wait3A_28 = tpu.memref_slice %arg4[%mul3A_20, %dma_wait3A_27] : memref<8192x256xf32, #tpu.memory_space<hbm>> -> memref<128x256xf32, #tpu.memory_space<hbm>>
      tpu.wait_dma2 semaphore(%run_scoped3A : memref<!tpu.dma_semaphore, #tpu.memory_space<semaphore_mem>>) src(%arg8 : memref<128x256xf32, #tpu.memory_space<vmem>>) dst(%dma_wait3A_28 : memref<128x256xf32, #tpu.memory_space<hbm>>)
      tpu.yield
    }) : () -> ()
    return
  }
}

module attributes {stable_mosaic.version = 14 : i64} {
  func.func @_transform_body(%arg0: i32, %arg1: memref<1024x256xf32, #tpu.memory_space<vmem>>, %arg2: memref<256x256xf32, #tpu.memory_space<vmem>>, %arg3: memref<1024x256xf32, #tpu.memory_space<vmem>>) attributes {dimension_semantics = [#tpu.dimension_semantics<arbitrary>], iteration_bounds = array<i64: 8>, scalar_prefetch = 0 : i64, scratch_operands = 0 : i64, tpu.core_type = #tpu.core_type<tc>, window_params = [{transform_indices = @transform_0, window_bounds = array<i64: 1024, 256>}, {pipeline_mode = #tpu.pipeline_mode<synchronous>, transform_indices = @transform_1, window_bounds = array<i64: 256, 256>}, {transform_indices = @transform_2, window_bounds = array<i64: 1024, 256>}]} {
    %get3A = arith.constant 0 : index
    %get3A_0 = arith.constant 0 : index
    %get3A_1 = vector.load %arg1[%get3A, %get3A_0] : memref<1024x256xf32, #tpu.memory_space<vmem>>, vector<1024x256xf32>
    %get3A_2 = arith.constant 0 : index
    %get3A_3 = arith.constant 0 : index
    %get3A_4 = vector.load %arg2[%get3A_2, %get3A_3] : memref<256x256xf32, #tpu.memory_space<vmem>>, vector<256x256xf32>
    %dot_general3A = arith.constant dense<0.000000e+00> : vector<1024x256xf32>
    %dot_general3A_5 = tpu.matmul %get3A_1, %get3A_4, %dot_general3A {dimension_numbers = #tpu.dot_dimension_numbers<[1], [1], [0], [0], [0, 0, 1, 0], [], []>, transpose_lhs_hint = false} : vector<1024x256xf32>, vector<256x256xf32>, vector<1024x256xf32> -> vector<1024x256xf32>
    %swap3A = arith.constant 0 : index
    %swap3A_6 = arith.constant 0 : index
    %swap3A_7 = vector.load %arg3[%swap3A, %swap3A_6] : memref<1024x256xf32, #tpu.memory_space<vmem>>, vector<1024x256xf32>
    tpu.vector_store %arg3[%swap3A, %swap3A_6], %dot_general3A_5 {strides = array<i32>} : memref<1024x256xf32, #tpu.memory_space<vmem>>, vector<1024x256xf32>,
    return
  }
  func.func @transform_0(%arg0: i32) -> (i32, i32) {
    %c0_i32 = arith.constant 0 : i32
    %c0_i32_0 = arith.constant 0 : i32
    return %arg0, %c0_i32 : i32, i32
  }
  func.func @transform_1(%arg0: i32) -> (i32, i32) {
    %c0_i32 = arith.constant 0 : i32
    %c0_i32_0 = arith.constant 0 : i32
    %c0_i32_1 = arith.constant 0 : i32
    return %c0_i32, %c0_i32_0 : i32, i32
  }
  func.func @transform_2(%arg0: i32) -> (i32, i32) {
    %c0_i32 = arith.constant 0 : i32
    %c0_i32_0 = arith.constant 0 : i32
    return %arg0, %c0_i32 : i32, i32
  }
}

module attributes {stable_mosaic.version = 14 : i64} {
  func.func @_argmin_body(%arg0: i32, %arg1: i32, %arg2: memref<1x1x1024xf32, #tpu.memory_space<vmem>>, %arg3: memref<1024x256xf32, #tpu.memory_space<vmem>>, %arg4: memref<2048x256xf32, #tpu.memory_space<vmem>>, %arg5: memref<2048x1xf32, #tpu.memory_space<vmem>>, %arg6: memref<1x1x1024xi32, #tpu.memory_space<vmem>>, %arg7: memref<1x1024xf32, #tpu.memory_space<vmem>>, %arg8: memref<1x1024xi32, #tpu.memory_space<vmem>>) attributes {dimension_semantics = [#tpu.dimension_semantics<arbitrary>, #tpu.dimension_semantics<arbitrary>], iteration_bounds = array<i64: 8, 4>, scalar_prefetch = 0 : i64, scratch_operands = 2 : i64, tpu.core_type = #tpu.core_type<tc>, window_params = [{transform_indices = @transform_0, window_bounds = array<i64: 1, 1, 1024>}, {transform_indices = @transform_1, window_bounds = array<i64: 1024, 256>}, {transform_indices = @transform_2, window_bounds = array<i64: 2048, 256>}, {transform_indices = @transform_3, window_bounds = array<i64: 2048, 1>}, {transform_indices = @transform_4, window_bounds = array<i64: 1, 1, 1024>}]} {
    %eq3A = arith.constant 0 : i32
    %eq3A_0 = arith.cmpi eq, %arg1, %eq3A : i32
    %convert_element_type3A = arith.extui %eq3A_0 : i1 to i32
    %cond3A = arith.constant 0 : i32
    %cond3A_1 = arith.cmpi ne, %convert_element_type3A, %cond3A : i32
    scf.if %cond3A_1 {
      %broadcast_in_dim3A_102 = arith.constant 0x7F800000 : f32
      %broadcast_in_dim3A_103 = vector.broadcast %broadcast_in_dim3A_102 : f32 to vector<1x1024xf32>
      %swap3A_104 = arith.constant 0 : index
      %swap3A_105 = arith.constant 0 : index
      %swap3A_106 = vector.load %arg7[%swap3A_104, %swap3A_105] : memref<1x1024xf32, #tpu.memory_space<vmem>>, vector<1x1024xf32>
      tpu.vector_store %arg7[%swap3A_104, %swap3A_105], %broadcast_in_dim3A_103 {strides = array<i32>} : memref<1x1024xf32, #tpu.memory_space<vmem>>, vector<1x1024xf32>,
      %broadcast_in_dim3A_107 = arith.constant 0 : i32
      %broadcast_in_dim3A_108 = vector.broadcast %broadcast_in_dim3A_107 : i32 to vector<1x1024xi32>
      %swap3A_109 = arith.constant 0 : index
      %swap3A_110 = arith.constant 0 : index
      %swap3A_111 = vector.load %arg8[%swap3A_109, %swap3A_110] : memref<1x1024xi32, #tpu.memory_space<vmem>>, vector<1x1024xi32>
      tpu.vector_store %arg8[%swap3A_109, %swap3A_110], %broadcast_in_dim3A_108 {strides = array<i32>} : memref<1x1024xi32, #tpu.memory_space<vmem>>, vector<1x1024xi32>,
    } else {
    }
    %get3A = arith.constant 0 : index
    %get3A_2 = arith.constant 0 : index
    %get3A_3 = vector.load %arg4[%get3A, %get3A_2] : memref<2048x256xf32, #tpu.memory_space<vmem>>, vector<2048x256xf32>
    %get3A_4 = arith.constant 0 : index
    %get3A_5 = arith.constant 0 : index
    %get3A_6 = vector.load %arg3[%get3A_4, %get3A_5] : memref<1024x256xf32, #tpu.memory_space<vmem>>, vector<1024x256xf32>
    %dot_general3A = arith.constant dense<0.000000e+00> : vector<2048x1024xf32>
    %dot_general3A_7 = tpu.matmul %get3A_3, %get3A_6, %dot_general3A {dimension_numbers = #tpu.dot_dimension_numbers<[1], [1], [0], [0], [0, 0, 1, 0], [], []>, transpose_lhs_hint = false} : vector<2048x256xf32>, vector<1024x256xf32>, vector<2048x1024xf32> -> vector<2048x1024xf32>
    %get3A_8 = arith.constant 0 : index
    %get3A_9 = arith.constant 0 : index
    %get3A_10 = arith.constant 0 : index
    %get3A_11 = vector.load %arg2[%get3A_8, %get3A_9, %get3A_10] : memref<1x1x1024xf32, #tpu.memory_space<vmem>>, vector<1x1x1024xf32>
    %reshape3A = vector.shape_cast %get3A_11 : vector<1x1x1024xf32> to vector<1x1024xf32>
    %mul3A = arith.constant 2.000000e+00 : f32
    %mul3A_12 = vector.broadcast %mul3A : f32 to vector<2048x1024xf32>
    %mul3A_13 = arith.mulf %mul3A_12, %dot_general3A_7 : vector<2048x1024xf32>
    %sub3A = vector.broadcast %reshape3A : vector<1x1024xf32> to vector<2048x1024xf32>
    %sub3A_14 = arith.subf %sub3A, %mul3A_13 : vector<2048x1024xf32>
    %get3A_15 = arith.constant 0 : index
    %get3A_16 = arith.constant 0 : index
    %get3A_17 = vector.load %arg5[%get3A_15, %get3A_16] : memref<2048x1xf32, #tpu.memory_space<vmem>>, vector<2048x1xf32>
    %add3A = vector.broadcast %get3A_17 : vector<2048x1xf32> to vector<2048x1024xf32>
    %add3A_18 = arith.addf %sub3A_14, %add3A : vector<2048x1024xf32>
    %reduce_min3A = arith.constant dense<0x7F800000> : vector<1024xf32>
    %reduce_min3A_19 = vector.multi_reduction <minimumf>, %add3A_18, %reduce_min3A [0] : vector<2048x1024xf32> to vector<1024xf32>
    %broadcast_in_dim3A = vector.shape_cast %reduce_min3A_19 : vector<1024xf32> to vector<1x1024xf32>
    %max3A = arith.constant 0.000000e+00 : f32
    %max3A_20 = vector.broadcast %max3A : f32 to vector<1x1024xf32>
    %max3A_21 = arith.maximumf %broadcast_in_dim3A, %max3A_20 : vector<1x1024xf32>
    %sqrt3A = math.sqrt %max3A_21 : vector<1x1024xf32>
    %max3A_22 = arith.constant 0.000000e+00 : f32
    %max3A_23 = vector.broadcast %max3A_22 : f32 to vector<1x1024xf32>
    %max3A_24 = arith.maximumf %broadcast_in_dim3A, %max3A_23 : vector<1x1024xf32>
    %bitcast_convert_type3A = tpu.bitcast %max3A_24 : vector<1x1024xf32> -> vector<1x1024xi32>
    %add3A_25 = arith.constant 1 : i32
    %add3A_26 = vector.broadcast %add3A_25 : i32 to vector<1x1024xi32>
    %add3A_27 = arith.addi %bitcast_convert_type3A, %add3A_26 : vector<1x1024xi32>
    %bitcast_convert_type3A_28 = tpu.bitcast %add3A_27 : vector<1x1024xi32> -> vector<1x1024xf32>
    %sqrt3A_29 = math.sqrt %bitcast_convert_type3A_28 : vector<1x1024xf32>
    %eq3A_30 = arith.cmpf oeq, %sqrt3A_29, %sqrt3A : vector<1x1024xf32>
    %select_n3A = arith.select %eq3A_30, %bitcast_convert_type3A_28, %max3A_24 : vector<1x1024xi1>, vector<1x1024xf32>
    %bitcast_convert_type3A_31 = tpu.bitcast %select_n3A : vector<1x1024xf32> -> vector<1x1024xi32>
    %add3A_32 = arith.constant 1 : i32
    %add3A_33 = vector.broadcast %add3A_32 : i32 to vector<1x1024xi32>
    %add3A_34 = arith.addi %bitcast_convert_type3A_31, %add3A_33 : vector<1x1024xi32>
    %bitcast_convert_type3A_35 = tpu.bitcast %add3A_34 : vector<1x1024xi32> -> vector<1x1024xf32>
    %sqrt3A_36 = math.sqrt %bitcast_convert_type3A_35 : vector<1x1024xf32>
    %eq3A_37 = arith.cmpf oeq, %sqrt3A_36, %sqrt3A : vector<1x1024xf32>
    %select_n3A_38 = arith.select %eq3A_37, %bitcast_convert_type3A_35, %select_n3A : vector<1x1024xi1>, vector<1x1024xf32>
    %bitcast_convert_type3A_39 = tpu.bitcast %select_n3A_38 : vector<1x1024xf32> -> vector<1x1024xi32>
    %add3A_40 = arith.constant 1 : i32
    %add3A_41 = vector.broadcast %add3A_40 : i32 to vector<1x1024xi32>
    %add3A_42 = arith.addi %bitcast_convert_type3A_39, %add3A_41 : vector<1x1024xi32>
    %bitcast_convert_type3A_43 = tpu.bitcast %add3A_42 : vector<1x1024xi32> -> vector<1x1024xf32>
    %sqrt3A_44 = math.sqrt %bitcast_convert_type3A_43 : vector<1x1024xf32>
    %eq3A_45 = arith.cmpf oeq, %sqrt3A_44, %sqrt3A : vector<1x1024xf32>
    %select_n3A_46 = arith.select %eq3A_45, %bitcast_convert_type3A_43, %select_n3A_38 : vector<1x1024xi1>, vector<1x1024xf32>
    %bitcast_convert_type3A_47 = tpu.bitcast %select_n3A_46 : vector<1x1024xf32> -> vector<1x1024xi32>
    %add3A_48 = arith.constant 1 : i32
    %add3A_49 = vector.broadcast %add3A_48 : i32 to vector<1x1024xi32>
    %add3A_50 = arith.addi %bitcast_convert_type3A_47, %add3A_49 : vector<1x1024xi32>
    %bitcast_convert_type3A_51 = tpu.bitcast %add3A_50 : vector<1x1024xi32> -> vector<1x1024xf32>
    %sqrt3A_52 = math.sqrt %bitcast_convert_type3A_51 : vector<1x1024xf32>
    %eq3A_53 = arith.cmpf oeq, %sqrt3A_52, %sqrt3A : vector<1x1024xf32>
    %select_n3A_54 = arith.select %eq3A_53, %bitcast_convert_type3A_51, %select_n3A_46 : vector<1x1024xi1>, vector<1x1024xf32>
    %bitcast_convert_type3A_55 = tpu.bitcast %select_n3A_54 : vector<1x1024xf32> -> vector<1x1024xi32>
    %add3A_56 = arith.constant 1 : i32
    %add3A_57 = vector.broadcast %add3A_56 : i32 to vector<1x1024xi32>
    %add3A_58 = arith.addi %bitcast_convert_type3A_55, %add3A_57 : vector<1x1024xi32>
    %bitcast_convert_type3A_59 = tpu.bitcast %add3A_58 : vector<1x1024xi32> -> vector<1x1024xf32>
    %sqrt3A_60 = math.sqrt %bitcast_convert_type3A_59 : vector<1x1024xf32>
    %eq3A_61 = arith.cmpf oeq, %sqrt3A_60, %sqrt3A : vector<1x1024xf32>
    %select_n3A_62 = arith.select %eq3A_61, %bitcast_convert_type3A_59, %select_n3A_54 : vector<1x1024xi1>, vector<1x1024xf32>
    %bitcast_convert_type3A_63 = tpu.bitcast %select_n3A_62 : vector<1x1024xf32> -> vector<1x1024xi32>
    %add3A_64 = arith.constant 1 : i32
    %add3A_65 = vector.broadcast %add3A_64 : i32 to vector<1x1024xi32>
    %add3A_66 = arith.addi %bitcast_convert_type3A_63, %add3A_65 : vector<1x1024xi32>
    %bitcast_convert_type3A_67 = tpu.bitcast %add3A_66 : vector<1x1024xi32> -> vector<1x1024xf32>
    %sqrt3A_68 = math.sqrt %bitcast_convert_type3A_67 : vector<1x1024xf32>
    %eq3A_69 = arith.cmpf oeq, %sqrt3A_68, %sqrt3A : vector<1x1024xf32>
    %select_n3A_70 = arith.select %eq3A_69, %bitcast_convert_type3A_67, %select_n3A_62 : vector<1x1024xi1>, vector<1x1024xf32>
    %iota3A = tpu.iota {dimensions = array<i32: 0>} : vector<2048x1024xi32>
    %mul3A_71 = arith.constant 2048 : i32
    %mul3A_72 = arith.muli %arg1, %mul3A_71 : i32
    %add3A_73 = vector.broadcast %mul3A_72 : i32 to vector<2048x1024xi32>
    %add3A_74 = arith.addi %iota3A, %add3A_73 : vector<2048x1024xi32>
    %le3A = vector.broadcast %select_n3A_70 : vector<1x1024xf32> to vector<2048x1024xf32>
    %le3A_75 = arith.cmpf ole, %add3A_18, %le3A : vector<2048x1024xf32>
    %jit3A = arith.constant 2147483647 : i32
    %broadcast_in_dim3A_76 = vector.broadcast %jit3A : i32 to vector<2048x1024xi32>
    %select_n3A_77 = arith.select %le3A_75, %add3A_74, %broadcast_in_dim3A_76 : vector<2048x1024xi1>, vector<2048x1024xi32>
    %reduce_min3A_78 = arith.constant dense<2147483647> : vector<1024xi32>
    %reduce_min3A_79 = vector.multi_reduction <minsi>, %select_n3A_77, %reduce_min3A_78 [0] : vector<2048x1024xi32> to vector<1024xi32>
    %broadcast_in_dim3A_80 = vector.shape_cast %reduce_min3A_79 : vector<1024xi32> to vector<1x1024xi32>
    %get3A_81 = arith.constant 0 : index
    %get3A_82 = arith.constant 0 : index
    %get3A_83 = vector.load %arg7[%get3A_81, %get3A_82] : memref<1x1024xf32, #tpu.memory_space<vmem>>, vector<1x1024xf32>
    %lt3A = arith.cmpf olt, %sqrt3A, %get3A_83 : vector<1x1024xf32>
    %get3A_84 = arith.constant 0 : index
    %get3A_85 = arith.constant 0 : index
    %get3A_86 = vector.load %arg7[%get3A_84, %get3A_85] : memref<1x1024xf32, #tpu.memory_space<vmem>>, vector<1x1024xf32>
    %select_n3A_87 = arith.select %lt3A, %sqrt3A, %get3A_86 : vector<1x1024xi1>, vector<1x1024xf32>
    %swap3A = arith.constant 0 : index
    %swap3A_88 = arith.constant 0 : index
    %swap3A_89 = vector.load %arg7[%swap3A, %swap3A_88] : memref<1x1024xf32, #tpu.memory_space<vmem>>, vector<1x1024xf32>
    tpu.vector_store %arg7[%swap3A, %swap3A_88], %select_n3A_87 {strides = array<i32>} : memref<1x1024xf32, #tpu.memory_space<vmem>>, vector<1x1024xf32>,
    %get3A_90 = arith.constant 0 : index
    %get3A_91 = arith.constant 0 : index
    %get3A_92 = vector.load %arg8[%get3A_90, %get3A_91] : memref<1x1024xi32, #tpu.memory_space<vmem>>, vector<1x1024xi32>
    %select_n3A_93 = arith.select %lt3A, %broadcast_in_dim3A_80, %get3A_92 : vector<1x1024xi1>, vector<1x1024xi32>
    %swap3A_94 = arith.constant 0 : index
    %swap3A_95 = arith.constant 0 : index
    %swap3A_96 = vector.load %arg8[%swap3A_94, %swap3A_95] : memref<1x1024xi32, #tpu.memory_space<vmem>>, vector<1x1024xi32>
    tpu.vector_store %arg8[%swap3A_94, %swap3A_95], %select_n3A_93 {strides = array<i32>} : memref<1x1024xi32, #tpu.memory_space<vmem>>, vector<1x1024xi32>,
    %eq3A_97 = arith.constant 3 : i32
    %eq3A_98 = arith.cmpi eq, %arg1, %eq3A_97 : i32
    %convert_element_type3A_99 = arith.extui %eq3A_98 : i1 to i32
    %cond3A_100 = arith.constant 0 : i32
    %cond3A_101 = arith.cmpi ne, %convert_element_type3A_99, %cond3A_100 : i32
    scf.if %cond3A_101 {
      %get3A_102 = arith.constant 0 : index
      %get3A_103 = arith.constant 0 : index
      %get3A_104 = vector.load %arg8[%get3A_102, %get3A_103] : memref<1x1024xi32, #tpu.memory_space<vmem>>, vector<1x1024xi32>
      %reshape3A_105 = vector.shape_cast %get3A_104 : vector<1x1024xi32> to vector<1x1x1024xi32>
      %swap3A_106 = arith.constant 0 : index
      %swap3A_107 = arith.constant 0 : index
      %swap3A_108 = arith.constant 0 : index
      %swap3A_109 = vector.load %arg6[%swap3A_106, %swap3A_107, %swap3A_108] : memref<1x1x1024xi32, #tpu.memory_space<vmem>>, vector<1x1x1024xi32>
      tpu.vector_store %arg6[%swap3A_106, %swap3A_107, %swap3A_108], %reshape3A_105 {strides = array<i32>} : memref<1x1x1024xi32, #tpu.memory_space<vmem>>, vector<1x1x1024xi32>,
    } else {
    }
    return
  }
  func.func @transform_0(%arg0: i32, %arg1: i32) -> (i32, i32, i32) {
    %c0_i32 = arith.constant 0 : i32
    %c0_i32_0 = arith.constant 0 : i32
    %c0_i32_1 = arith.constant 0 : i32
    return %arg0, %c0_i32, %c0_i32_0 : i32, i32, i32
  }
  func.func @transform_1(%arg0: i32, %arg1: i32) -> (i32, i32) {
    %c0_i32 = arith.constant 0 : i32
    %c0_i32_0 = arith.constant 0 : i32
    return %arg0, %c0_i32 : i32, i32
  }
  func.func @transform_2(%arg0: i32, %arg1: i32) -> (i32, i32) {
    %c0_i32 = arith.constant 0 : i32
    %c0_i32_0 = arith.constant 0 : i32
    return %arg1, %c0_i32 : i32, i32
  }
  func.func @transform_3(%arg0: i32, %arg1: i32) -> (i32, i32) {
    %c0_i32 = arith.constant 0 : i32
    %c0_i32_0 = arith.constant 0 : i32
    return %arg1, %c0_i32 : i32, i32
  }
  func.func @transform_4(%arg0: i32, %arg1: i32) -> (i32, i32, i32) {
    %c0_i32 = arith.constant 0 : i32
    %c0_i32_0 = arith.constant 0 : i32
    %c0_i32_1 = arith.constant 0 : i32
    return %arg0, %c0_i32, %c0_i32_0 : i32, i32, i32
  }
}

</mosaic_0001>

<sc_bundles>
// kernel: kernel.5.cloned.1.call-start
scs
__scs_entry_jumppad:
0x0: {  	(pc) =	sbr.rel $0x88, $3  }
0x1: {  	(tag) =	ssettag $0x0;
	lr =	simm.s32 $0x1  }
0x2: {  	[smem:$0x3F9E] =	sst lr;
	_ =	strace $0xD0000000  }
0x3: {  	_ = 	snop  }
0x4: {  	_ = 	snop  }
0x5: {  	_ = 	snop  }
0x6: {  	_ = 	snop  }
0x7: {  	_ = 	snop  }
__scs_overlays_trampoline_lowered:
0x8: {  	[smem:$0x3FAD] =	sst s0  }
0x9: {  	[smem:$0x3FAE] =	sst s1  }
0xa: {  	[smem:$0x3FAF] =	sst s2  }
0xb: {  	[smem:$0x3FB0] =	sst s3  }
0xc: {  	[smem:$0x3FB1] =	sst s4  }
0xd: {  	[smem:$0x3FB2] =	sst s5  }
0xe: {  	[smem:$0x3FB3] =	sst s6  }
0xf: {  	[smem:$0x3FB4] =	sst s7  }
0x10: {  	[smem:$0x3FB5] =	sst s8  }
0x11: {  	[smem:$0x3FB6] =	sst s9;
	s0 =	simm.s32 @!p0 $0x0  }
0x12: {  	s1 =	sld [smem:$0x3F9C];
	s0 =	simm.s32 @p0 $0x1  }
0x13: {  	[smem:$0x3FB7] =	sst s0;
	s0 =	simm.s32 @!p1 $0x0  }
0x14: {  	s2 =	sld [smem:$0x3F9B];
	s0 =	simm.s32 @p1 $0x1  }
0x15: {  	[smem:$0x3FB8] =	sst s0;
	s0 =	simm.s32 @!p2 $0x0  }
0x16: {  	s3 =	sld [smem:$0x3FDB];
	s0 =	simm.s32 @p2 $0x1  }
0x17: {  	s4 =	simm.s32 $0x1BF5;
	[smem:$0x3FBA] =	sst s0  }
0x18: {  	s0 =	sld [smem:$0x3F9D];
	_ =	swait.ge [sflag:s4], $0x0  }
0x19: {  	s7 =	sld [smem:$0x3F9E]  }
0x1a: {  	s8 =	sadd.s32 $0xFFFFE003, lr  }
0x1b: {  	s9 =	sadd.s32 $0xFFFFFEF7, lr;
	s5 =	simm.s32 $0xFFFFFFFF;
	p2 =	slt.u32 s8, $0xFFFFF086  }
0x1c: {  	p1 =	slt.u32 s9, $0xF7A;
	s5 =	simm.s32 @!p2 $0x0  }
0x1d: {  	s5 =	simm.s32 @p1 $0x1;
	p0 =	seq.s32 s7, s2  }
0x1e: {  	s7 =	smul.u32 @!p0 $0xF7A, s2;
	p2 =	seq.s32 @!p0 s5, $0x0  }
0x1f: {  	s9 =	smul.u32 $0xF7A, s1;
	s8 =	simm.s32 @!p0 $0x1BF5;
	p2 =	por !p2, p0  }
0x20: {  	[sflag:s8] =	ssyncset.s32 @!p0 $0xFFFFF086;
	s6 =	sadd.s32 @!p0 s3, s7;
	s7 =	simm.s32 @!p0 $0x108  }
0x21: {  	s3 =	sadd.s32 s3, s9;
	s6 =	sadd.s32 @!p0 $0x88, s6;
	s7 =	simm.s32 @p2 $0x1082  }
0x22: {  	[simem:s7], [sflag:s8] =	dma.local @!p0 [hbm:s6], $0xF7A  }
0x23: {  	s9 =	sor.u32 $0xD0000000, s2;
	s6 =	simm.s32 $0x108;
	_ =	swait.ge @!p0 [sflag:s8], $0x0  }
0x24: {  	s3 =	sadd.s32 $0x88, s3;
	s6 =	simm.s32 @!p1 $0x1082;
	[sflag:s4] =	ssyncset.s32 $0xFFFFF086  }
0x25: {  	[simem:s6], [sflag:s4] =	dma.local [hbm:s3], $0xF7A  }
0x26: {  	[smem:$0x3F9E] =	sst s1;
	(tag) =	ssettag s2;
	_ =	strace s9  }
0x27: {  	s1 =	sld [smem:$0x3FAE]  }
0x28: {  	s2 =	sld [smem:$0x3FAF]  }
0x29: {  	s4 =	sld [smem:$0x3FB1]  }
0x2a: {  	p0 =	seq.s32 s5, $0x0;
	s5 =	sld [smem:$0x3FB2]  }
0x2b: {  	s6 =	sld [smem:$0x3FB3]  }
0x2c: {  	s7 =	sld [smem:$0x3FB4]  }
0x2d: {  	s3 =	simm.s32 $0x108;
	s8 =	sld [smem:$0x3FB5]  }
0x2e: {  	s3 =	simm.s32 @!p0 $0x1082;
	s9 =	sld [smem:$0x3FB6]  }
0x2f: {  	lr =	sadd.s32 s0, s3;
	s0 =	sld [smem:$0x3FAD]  }
0x30: {  	s3 =	sld [smem:$0x3FB0]  }
0x31: {  	[smem:$0x3FB9] =	sst s10  }
0x32: {  	s10 =	sld [smem:$0x3FB7];
	_ =	sdelay $0x3  }
0x33: {  	p0 =	seq.s32 s10, $0x1;
	s10 =	sld [smem:$0x3FB9];
	_ =	sdelay $0x3  }
0x34: {  	[smem:$0x3FB9] =	sst s10  }
0x35: {  	s10 =	sld [smem:$0x3FB8];
	_ =	sdelay $0x3  }
0x36: {  	p1 =	seq.s32 s10, $0x1;
	s10 =	sld [smem:$0x3FB9];
	_ =	sdelay $0x3  }
0x37: {  	[smem:$0x3FB9] =	sst s10  }
0x38: {  	s10 =	sld [smem:$0x3FBA]  }
0x39: {  	_ = 	snop;
	(pc) =	sbr.ind lr, $3  }
0x3a: {  	_ = 	snop  }
0x3b: {  	_ = 	snop  }
0x3c: {  	p2 =	seq.s32 s10, $0x1;
	s10 =	sld [smem:$0x3FB9]  }
0x3d: {  	_ =	shalt  }
0x3e: {  	_ =	shalt  }
0x3f: {  	_ =	shalt  }
0x40: {  	_ =	shalt  }
0x41: {  	_ =	shalt  }
0x42: {  	_ =	shalt  }
0x43: {  	_ =	shalt  }
0x44: {  	_ =	shalt  }
0x45: {  	_ =	shalt  }
0x46: {  	_ =	shalt  }
0x47: {  	_ =	shalt  }
0x48: {  	_ =	shalt  }
0x49: {  	_ =	shalt  }
0x4a: {  	_ =	shalt  }
0x4b: {  	_ =	shalt  }
0x4c: {  	_ =	shalt  }
0x4d: {  	_ =	shalt  }
0x4e: {  	_ =	shalt  }
0x4f: {  	_ =	shalt  }
0x50: {  	_ =	shalt  }
0x51: {  	_ =	shalt  }
0x52: {  	_ =	shalt  }
0x53: {  	_ =	shalt  }
0x54: {  	_ =	shalt  }
0x55: {  	_ =	shalt  }
0x56: {  	_ =	shalt  }
0x57: {  	_ =	shalt  }
0x58: {  	_ =	shalt  }
0x59: {  	_ =	shalt  }
0x5a: {  	_ =	shalt  }
0x5b: {  	_ =	shalt  }
0x5c: {  	_ =	shalt  }
0x5d: {  	_ =	shalt  }
0x5e: {  	_ =	shalt  }
0x5f: {  	_ =	shalt  }
0x60: {  	_ =	shalt  }
0x61: {  	_ =	shalt  }
0x62: {  	_ =	shalt  }
0x63: {  	_ =	shalt  }
0x64: {  	_ =	shalt  }
0x65: {  	_ =	shalt  }
0x66: {  	_ =	shalt  }
0x67: {  	_ =	shalt  }
0x68: {  	_ =	shalt  }
0x69: {  	_ =	shalt  }
0x6a: {  	_ =	shalt  }
0x6b: {  	_ =	shalt  }
0x6c: {  	_ =	shalt  }
0x6d: {  	_ =	shalt  }
0x6e: {  	_ =	shalt  }
0x6f: {  	_ =	shalt  }
0x70: {  	_ =	shalt  }
0x71: {  	_ =	shalt  }
0x72: {  	_ =	shalt  }
0x73: {  	_ =	shalt  }
0x74: {  	_ =	shalt  }
0x75: {  	_ =	shalt  }
0x76: {  	_ =	shalt  }
0x77: {  	_ =	shalt  }
0x78: {  	_ =	shalt  }
0x79: {  	_ =	shalt  }
0x7a: {  	_ =	shalt  }
0x7b: {  	_ =	shalt  }
0x7c: {  	_ =	shalt  }
0x7d: {  	_ =	shalt  }
0x7e: {  	_ =	shalt  }
0x7f: {  	_ =	shalt  }
0x80: {  	_ =	shalt  }
0x81: {  	_ =	shalt  }
0x82: {  	_ =	shalt  }
0x83: {  	_ =	shalt  }
0x84: {  	_ =	shalt  }
0x85: {  	_ =	shalt  }
0x86: {  	_ =	shalt  }
0x87: {  	_ =	shalt  }
.Lfunc_end0:
.L_simem_size_0:
called_computation_lowered:
.L_overlay_start_0:
0x88: {  	s2 =	sld [smem:$0x3FD9]  }
0x89: {  	s3 =	sld [smem:$0x3FFE];
	_ =	sdelay $0x1  }
0x8a: {  	s1 =	srdreg.scid  }
0x8b: {  	s0 =	sand.u32 $0x1, s1  }
0x8c: {  	s14 =	sshll.u32 s0, $0xA;
	s2 =	sadd.s32 s3, s2  }
0x8d: {  	s2 =	sadd.s32 s2, s14  }
0x8e: {  	[smem:$0x3FC5] =	sst s2  }
0x8f: {  	_ = 	snop  }
0x90: {  	s2 =	sld [smem:$0x3FD0];
	_ =	sdelay $0x2  }
0x91: {  	s15 =	simm.s32 $0xA;
	s4 =	simm.s32 $0x10  }
0x92: {  	[smem:s4], [sflag:s15] =	dma.local [hbm:s2], $0x1  }
0x93: {  	_ =	swait.eq [sflag:s15], $0x1  }
0x94: {  	[sflag:s15] =	ssyncset.done $0x0  }
0x95: {  	[sflag:s15] =	ssyncadd.s32 $0xFFFFFFFF  }
0x96: {  	s16 =	sld [smem:$0x10];
	(tm) =	ssettm $0x1  }
0x97: {  	s17 =	sld [smem:$0x3FFB];
	_ =	sdelay $0x3  }
0x98: {  	_ =	strace s17  }
0x99: {  	s3 =	sld [smem:$0x3FFC];
	_ =	sdelay $0x3  }
0x9a: {  	_ =	strace s3  }
0x9b: {  	s3 =	sld [smem:$0x3FFD];
	_ =	sdelay $0x3  }
0x9c: {  	_ =	strace s3  }
0x9d: {  	_ =	strace $0x8FFFFFFF  }
0x9e: {  	s18 =	sld [smem:$0x3FDB];
	_ =	sdelay $0x1  }
0x9f: {  	s19 =	simm.s32 $_scs_section_size  }
0xa0: {  	s5 =	simm.s32 $_size__tile_overlayer_lowered;
	s6 =	simm.s32 $_tile_overlayer_lowered  }
0xa1: {  	s22 =	simm.s32 $0x1BFF;
	s21 =	sshll.u32 s6, $0x1;
	s3 =	sadd.s32 s19, s18  }
0xa2: {  	s7 =	simm.s32 $0x0;
	s20 =	sshll.u32 s5, $0x1;
	s5 =	sadd.s32 s21, s3  }
0xa3: {  	[timem:s7], [sflag:s22] =	dma.local [hbm:s5], s20  }
0xa4: {  	_ =	swait.ge [sflag:s22], s20  }
0xa5: {  	s4 =	ssub.s32 $0x0, s20;
	[sflag:s22] =	ssyncset.done $0x0  }
0xa6: {  	[sflag:s22] =	ssyncadd.s32 s4;
	_ =	sdelay $0x1  }
0xa7: {  	s23 =	simm.s32 $0x1B8B  }
0xa8: {  	_ =	swait.ge [sflag:s23], $0x1  }
0xa9: {  	[sflag:s23] =	ssyncset.done $0x0  }
0xaa: {  	s25 =	simm.s32 $0x1B8E;
	s24 =	sld [smem:$0x3FFE];
	[sflag:s23] =	ssyncadd.s32 $0xFFFFFFFF  }
0xab: {  	s26 =	simm.s32 $execute0_lowered;
	[smem:$0x3FD2] =	sst s25  }
0xac: {  	s5 =	sshll.u32 s26, $0x1;
	_ =	strace $0x80000046;
	[dreg:$0x1] =	wrdreg $0xFFFFFFFF  }
0xad: {  	s28 =	simm.s32 $_size_execute0_lowered;
	s3 =	sadd.s32 s3, s5;
	[dreg:$0x0] =	wrdreg $0x0  }
0xae: {  	s5 =	sshll.u32 s28, $0x1;
	[dreg:$0x2] =	wrdreg s3  }
0xaf: {  	[dreg:$0x3] =	wrdreg s5  }
0xb0: {  	[dreg:$0x4] =	wrdreg $0xC0  }
0xb1: {  	_ =	task [dreg:s7], $0x5FFFF  }
0xb2: {  	[dreg:$0x1] =	wrdreg $0xFFFFFFFF  }
0xb3: {  	[dreg:$0x0] =	wrdreg $0x60  }
0xb4: {  	[dreg:$0x2] =	wrdreg s24  }
0xb5: {  	[dreg:$0x3] =	wrdreg s16  }
0xb6: {  	[dreg:$0x4] =	wrdreg $0x9  }
0xb7: {  	_ =	task.clear_ibuf [dreg:s7], $0x5FFFF;
	_ =	strace $0x90000046  }
0xb8: {  	s29 =	simm.s32 $0x9;
	_ =	strace $0x80000048  }
0xb9: {  	_ =	swait.ge [sflag:s29], $0x1  }
0xba: {  	[sflag:s29] =	ssyncadd.s32 $0xFFFFFFFF  }
0xbb: {  	_ =	strace $0x90000048  }
0xbc: {  	_ =	sfence  }
0xbd: {  	s30 =	sld [smem:$0x0];
	_ =	sdelay $0x2  }
0xbe: {  	s31 =	sshll.u32 s1, $0xD;
	s1 =	sshrl.u32 s1, $0x2  }
0xbf: {  	s3 =	sand.u32 $0x4000, s31;
	s1 =	sadd.s32 s1, s30  }
0xc0: {  	s0 =	sor.u32 s3, s0;
	s1 =	sshll.u32 s1, $0x11  }
0xc1: {  	s0 =	sor.u32 s1, s0  }
0xc2: {  	s0 =	sadd.s32 $0x8F2B, s0  }
0xc3: {  	[sflag:s0] =	ssyncadd.remote.s32 $0x1  }
0xc4: {  	_ =	sfence.sel $0xFFFF  }
0xc5: {  	[dreg:$0x0] =	wrdreg $0xFFFFFFFF;
	(pc) =	sbr.abs _section_cstart, $3  }
0xc6: {  	[dreg:$0x1] =	wrdreg $0xFFFFFFFF  }
0xc7: {  	_ =	task.clear_ibuf [dreg:s7], $0x2FFFF;
	_ =	strace $0x9FFFFFFF  }
0xc8: {  	(tm) =	ssettm $0x7FFFFFFF  }
0xc9: {  	_ =	shalt  }
tec
execute0_lowered:
.L_overlay_start_1:
0x0: {  	(tag) =	ssettag $0x1  }
0x1: {  	s0 =	rddreg [dreg:$0x0]  }
0x2: {  	s3 =	rddreg [dreg:$0x1]  }
0x3: {  	s2 =	simm.s32 $0x0;
	s4 =	srdreg.scid;
	s1 =	stileid.u32  }
0x4: {  	s17 =	simm.s32 $0x900;
	s18 =	simm.s32 $0x1100;
	s19 =	simm.s32 $0x1900  }
0x5: {  	s20 =	simm.s32 $0x2100;
	s21 =	simm.s32 $0x2900;
	s23 =	simm.s32 $0x3100  }
0x6: {  	s24 =	simm.s32 $0x3900;
	s25 =	simm.s32 $0x4100;
	[smem:$0x7FF] =	sst s2  }
0x7: {  	s26 =	simm.s32 $0x4900;
	_ =	strace $0x80000047;
	[dreg:$0x7] =	wrdreg s17  }
0x8: {  	s11 =	simm.s32 $0x7100;
	s12 =	simm.s32 $0x7900;
	[dreg:$0x8] =	wrdreg s18  }
0x9: {  	s13 =	simm.s32 $0x80;
	s14 =	simm.s32 $0x8100;
	[dreg:$0x9] =	wrdreg s19  }
0xa: {  	s15 =	simm.s32 $0x8900;
	s28 =	simm.s32 $0xE900;
	[dreg:$0xa] =	wrdreg s20  }
0xb: {  	s29 =	simm.s32 $0xF100;
	s30 =	simm.s32 $0xF900;
	[dreg:$0xb] =	wrdreg s21  }
0xc: {  	s31 =	simm.s32 $0x1;
	s4 =	sand.u32 $0x1, s4;
	[dreg:$0xc] =	wrdreg s23  }
0xd: {  	s5 =	sshll.u32 s1, $0x1;
	s6 =	sadd.s32 $0x40C00, s0;
	[dreg:$0xd] =	wrdreg s24  }
0xe: {  	s8 =	sshll.u32 s1, $0x6;
	s5 =	sor.u32 s4, s5;
	[dreg:$0xe] =	wrdreg s25  }
0xf: {  	s8 =	sand.u32 $0x380, s8;
	s4 =	ssub.s32 $0x2, s4;
	[dreg:$0xf] =	wrdreg s26  }
0x10: {  	s17 =	simm.s32 $0x9900;
	s18 =	simm.s32 $0xA100;
	s19 =	simm.s32 $0xA900  }
0x11: {  	s20 =	simm.s32 $0xB100;
	s21 =	simm.s32 $0xB900;
	s23 =	simm.s32 $0xC900  }
0x12: {  	s24 =	simm.s32 $0xD100;
	s25 =	simm.s32 $0xD900;
	s26 =	simm.s32 $0xE100  }
0x13: {  	s7 =	sshllo.u32 s5, $0x1;
	s9 =	sshll.u32 s5, $0x5;
	s5 =	sshll.u32 s5, $0xD  }
0x14: {  	s22 =	sshrl.u32 s4, $0x1;
	s10 =	sshll.u32 s7, $0x4;
	s9 =	sadd.s32 s6, s9  }
0x15: {  	s6 =	sadd.s32 s6, s8;
	s5 =	sadd.s32 s3, s5;
	s16 =	sshll.u32 s7, $0xC  }
0x16: {  	s4 =	ssub.s32 s4, s22;
	s8 =	simm.s32 $0x5900;
	[dreg:$0x3] =	wrdreg s9  }
0x17: {  	s22 =	simm.s32 $0xC100;
	s10 =	sand.u32 $0x70, s10;
	[dreg:$0x5] =	wrdreg s5  }
0x18: {  	s3 =	sadd.s32 s3, s16;
	s4 =	smax.u32 s4, $0x1;
	s5 =	simm.s32 $0x3  }
0x19: {  	v2 =	vlaneseq.u32;
	s9 =	simm.s32 $0x6100;
	s16 =	simm.s32 $0x9100;
	s6 =	sadd.s32 s10, s6  }
0x1a: {  	vm0 =	vmmov $0xffff;
	v1 =	vshrl.u32 v2, $0x3;
	[dreg:$0x6] =	wrdreg s3;
	s3 =	sadd.s32 $0xC00, s0;
	s10 =	simm.s32 $0x6900  }
0x1b: {  	v0 =	vand.u32 $0x7, v2;
	v2 =	vor.u32 $0x8, v2;
	v1 =	vmul.u32 $0x8, v1;
	s0 =	simm.s32 $0x2;
	[dreg:$0x4] =	wrdreg s6;
	s6 =	simm.s32 $0x100  }
.LBB2_1:
0x1c: {  	s1 =	rddreg [dreg:$0x3]  }
0x1d: {  	[tilespmem:s2], [sflag:$0x3] =	stream.linear.gather [hbm4b:s1+s2], $0x80, $0x38;
	[tilespmem:$0x10100] =	vst v63  }
0x1e: {  	_ =	swait.ge [sflag:s5], $0x80  }
0x1f: {  	[sflag:s5] =	ssyncset.done $0x0  }
0x20: {  	[sflag:s5] =	ssyncadd.s32 $0xFFFFFF80  }
0x21: {  	v3 =	vld [tilespmem:$0x0];
	_ =	sdelay $0x4  }
0x22: {  	v4 =	vshll.u32 v3, $0x1  }
0x23: {  	v3 =	vand.u32 $0x7, v3;
	v4 =	vand.u32 $0xFFFFFFF0, v4  }
0x24: {  	v3 =	vor.u32 v3, v4  }
0x25: {  	v4 =	vperm.xlane v3, v0;
	_ =	sdelay $0x1  }
0x26: {  	v3 =	vperm.xlane v3, v2;
	v4 =	vadd.s32 v1, v4;
	_ =	sdelay $0x1  }
0x27: {  	v3 =	vadd.s32 v1, v3;
	_ =	sdelay $0x2  }
0x28: {  	[tilespmem:s6], [sflag:$0x1] =	stream.indirect_vreg.gather [hbm4b:s3+s2], $0x80, v4, vm0, $0xb8;
	[tilespmem:$0x10100] =	vst v63  }
0x29: {  	s7 =	rddreg [dreg:$0x7]  }
0x2a: {  	[tilespmem:s7], [sflag:$0x1] =	stream.indirect_vreg.gather [hbm4b:s3+s2], $0x80, v3, vm0, $0xb8;
	[tilespmem:$0x10100] =	vst v63  }
0x2b: {  	v3 =	vld [tilespmem:$0x10];
	_ =	sdelay $0x4  }
0x2c: {  	v49 =	vshll.u32 v3, $0x1  }
0x2d: {  	v3 =	vand.u32 $0x7, v3;
	v4 =	vand.u32 $0xFFFFFFF0, v49  }
0x2e: {  	v3 =	vor.u32 v3, v4  }
0x2f: {  	v4 =	vperm.xlane v3, v0;
	_ =	sdelay $0x1  }
0x30: {  	v3 =	vperm.xlane v3, v2;
	v4 =	vadd.s32 v1, v4;
	_ =	sdelay $0x1  }
0x31: {  	v3 =	vadd.s32 v1, v3;
	_ =	sdelay $0x1  }
0x32: {  	s1 =	rddreg [dreg:$0x8]  }
0x33: {  	[tilespmem:s1], [sflag:$0x1] =	stream.indirect_vreg.gather [hbm4b:s3+s2], $0x80, v4, vm0, $0xb8;
	[tilespmem:$0x10100] =	vst v63  }
0x34: {  	s7 =	rddreg [dreg:$0x9]  }
0x35: {  	[tilespmem:s7], [sflag:$0x1] =	stream.indirect_vreg.gather [hbm4b:s3+s2], $0x80, v3, vm0, $0xb8;
	[tilespmem:$0x10100] =	vst v63  }
0x36: {  	v3 =	vld [tilespmem:$0x20];
	_ =	sdelay $0x4  }
0x37: {  	v50 =	vshll.u32 v3, $0x1  }
0x38: {  	v3 =	vand.u32 $0x7, v3;
	v4 =	vand.u32 $0xFFFFFFF0, v50  }
0x39: {  	v3 =	vor.u32 v3, v4  }
0x3a: {  	v4 =	vperm.xlane v3, v0;
	_ =	sdelay $0x1  }
0x3b: {  	v3 =	vperm.xlane v3, v2;
	v4 =	vadd.s32 v1, v4;
	_ =	sdelay $0x1  }
0x3c: {  	v3 =	vadd.s32 v1, v3;
	_ =	sdelay $0x1  }
0x3d: {  	s1 =	rddreg [dreg:$0xa]  }
0x3e: {  	[tilespmem:s1], [sflag:$0x1] =	stream.indirect_vreg.gather [hbm4b:s3+s2], $0x80, v4, vm0, $0xb8;
	[tilespmem:$0x10100] =	vst v63  }
0x3f: {  	s7 =	rddreg [dreg:$0xb]  }
0x40: {  	[tilespmem:s7], [sflag:$0x1] =	stream.indirect_vreg.gather [hbm4b:s3+s2], $0x80, v3, vm0, $0xb8;
	[tilespmem:$0x10100] =	vst v63  }
0x41: {  	v3 =	vld [tilespmem:$0x30];
	_ =	sdelay $0x4  }
0x42: {  	v51 =	vshll.u32 v3, $0x1  }
0x43: {  	v3 =	vand.u32 $0x7, v3;
	v4 =	vand.u32 $0xFFFFFFF0, v51  }
0x44: {  	v3 =	vor.u32 v3, v4  }
0x45: {  	v4 =	vperm.xlane v3, v0;
	_ =	sdelay $0x1  }
0x46: {  	v3 =	vperm.xlane v3, v2;
	v4 =	vadd.s32 v1, v4;
	_ =	sdelay $0x1  }
0x47: {  	v3 =	vadd.s32 v1, v3;
	_ =	sdelay $0x1  }
0x48: {  	s1 =	rddreg [dreg:$0xc]  }
0x49: {  	[tilespmem:s1], [sflag:$0x1] =	stream.indirect_vreg.gather [hbm4b:s3+s2], $0x80, v4, vm0, $0xb8;
	[tilespmem:$0x10100] =	vst v63  }
0x4a: {  	s7 =	rddreg [dreg:$0xd]  }
0x4b: {  	[tilespmem:s7], [sflag:$0x1] =	stream.indirect_vreg.gather [hbm4b:s3+s2], $0x80, v3, vm0, $0xb8;
	[tilespmem:$0x10100] =	vst v63  }
0x4c: {  	v3 =	vld [tilespmem:$0x40];
	_ =	sdelay $0x4  }
0x4d: {  	v52 =	vshll.u32 v3, $0x1  }
0x4e: {  	v3 =	vand.u32 $0x7, v3;
	v4 =	vand.u32 $0xFFFFFFF0, v52  }
0x4f: {  	v3 =	vor.u32 v3, v4  }
0x50: {  	v4 =	vperm.xlane v3, v0;
	_ =	sdelay $0x1  }
0x51: {  	v3 =	vperm.xlane v3, v2;
	v4 =	vadd.s32 v1, v4;
	_ =	sdelay $0x1  }
0x52: {  	v3 =	vadd.s32 v1, v3;
	_ =	sdelay $0x1  }
0x53: {  	s1 =	rddreg [dreg:$0xe]  }
0x54: {  	[tilespmem:s1], [sflag:$0x1] =	stream.indirect_vreg.gather [hbm4b:s3+s2], $0x80, v4, vm0, $0xb8;
	[tilespmem:$0x10100] =	vst v63  }
0x55: {  	s7 =	rddreg [dreg:$0xf]  }
0x56: {  	[tilespmem:s7], [sflag:$0x1] =	stream.indirect_vreg.gather [hbm4b:s3+s2], $0x80, v3, vm0, $0xb8;
	[tilespmem:$0x10100] =	vst v63  }
0x57: {  	v3 =	vld [tilespmem:$0x50];
	_ =	sdelay $0x4  }
0x58: {  	v53 =	vshll.u32 v3, $0x1  }
0x59: {  	v3 =	vand.u32 $0x7, v3;
	v4 =	vand.u32 $0xFFFFFFF0, v53  }
0x5a: {  	v3 =	vor.u32 v3, v4  }
0x5b: {  	v4 =	vperm.xlane v3, v0;
	_ =	sdelay $0x1  }
0x5c: {  	v3 =	vperm.xlane v3, v2;
	v4 =	vadd.s32 v1, v4;
	_ =	sdelay $0x1  }
0x5d: {  	v3 =	vadd.s32 v1, v3;
	_ =	sdelay $0x1  }
0x5e: {  	s7 =	simm.s32 $0x5100  }
0x5f: {  	[tilespmem:s7], [sflag:$0x1] =	stream.indirect_vreg.gather [hbm4b:s3+s2], $0x80, v4, vm0, $0xb8;
	[tilespmem:$0x10100] =	vst v63  }
0x60: {  	_ = 	snop  }
0x61: {  	[tilespmem:s8], [sflag:$0x1] =	stream.indirect_vreg.gather [hbm4b:s3+s2], $0x80, v3, vm0, $0xb8;
	[tilespmem:$0x10100] =	vst v63  }
0x62: {  	v3 =	vld [tilespmem:$0x60];
	_ =	sdelay $0x4  }
0x63: {  	v54 =	vshll.u32 v3, $0x1  }
0x64: {  	v3 =	vand.u32 $0x7, v3;
	v4 =	vand.u32 $0xFFFFFFF0, v54  }
0x65: {  	v3 =	vor.u32 v3, v4  }
0x66: {  	v4 =	vperm.xlane v3, v0;
	_ =	sdelay $0x1  }
0x67: {  	v3 =	vperm.xlane v3, v2;
	v4 =	vadd.s32 v1, v4;
	_ =	sdelay $0x1  }
0x68: {  	v3 =	vadd.s32 v1, v3;
	_ =	sdelay $0x2  }
0x69: {  	[tilespmem:s9], [sflag:$0x1] =	stream.indirect_vreg.gather [hbm4b:s3+s2], $0x80, v4, vm0, $0xb8;
	[tilespmem:$0x10100] =	vst v63  }
0x6a: {  	_ = 	snop  }
0x6b: {  	[tilespmem:s10], [sflag:$0x1] =	stream.indirect_vreg.gather [hbm4b:s3+s2], $0x80, v3, vm0, $0xb8;
	[tilespmem:$0x10100] =	vst v63  }
0x6c: {  	v3 =	vld [tilespmem:$0x70];
	_ =	sdelay $0x4  }
0x6d: {  	v55 =	vshll.u32 v3, $0x1  }
0x6e: {  	v3 =	vand.u32 $0x7, v3;
	v4 =	vand.u32 $0xFFFFFFF0, v55  }
0x6f: {  	v3 =	vor.u32 v3, v4  }
0x70: {  	v4 =	vperm.xlane v3, v0;
	_ =	sdelay $0x1  }
0x71: {  	v3 =	vperm.xlane v3, v2;
	v4 =	vadd.s32 v1, v4;
	_ =	sdelay $0x1  }
0x72: {  	v3 =	vadd.s32 v1, v3;
	_ =	sdelay $0x2  }
0x73: {  	[tilespmem:s11], [sflag:$0x1] =	stream.indirect_vreg.gather [hbm4b:s3+s2], $0x80, v4, vm0, $0xb8;
	[tilespmem:$0x10100] =	vst v63  }
0x74: {  	_ = 	snop  }
0x75: {  	[tilespmem:s12], [sflag:$0x1] =	stream.indirect_vreg.gather [hbm4b:s3+s2], $0x80, v3, vm0, $0xb8;
	[tilespmem:$0x10100] =	vst v63  }
0x76: {  	s7 =	rddreg [dreg:$0x4]  }
0x77: {  	[tilespmem:s13], [sflag:$0x3] =	stream.linear.gather [hbm4b:s7+s2], $0x80, $0x38;
	[tilespmem:$0x10100] =	vst v63  }
0x78: {  	_ =	swait.ge [sflag:s5], $0x80  }
0x79: {  	[sflag:s5] =	ssyncset.done $0x0  }
0x7a: {  	[sflag:s5] =	ssyncadd.s32 $0xFFFFFF80  }
0x7b: {  	v3 =	vld [tilespmem:$0x80];
	_ =	sdelay $0x4  }
0x7c: {  	v56 =	vshll.u32 v3, $0x1  }
0x7d: {  	v3 =	vand.u32 $0x7, v3;
	v4 =	vand.u32 $0xFFFFFFF0, v56  }
0x7e: {  	v3 =	vor.u32 v3, v4  }
0x7f: {  	v4 =	vperm.xlane v3, v0;
	_ =	sdelay $0x1  }
0x80: {  	v3 =	vperm.xlane v3, v2;
	v4 =	vadd.s32 v1, v4;
	_ =	sdelay $0x1  }
0x81: {  	v3 =	vadd.s32 v1, v3;
	_ =	sdelay $0x2  }
0x82: {  	[tilespmem:s14], [sflag:$0x2] =	stream.indirect_vreg.gather [hbm4b:s3+s2], $0x80, v4, vm0, $0xb8;
	[tilespmem:$0x10100] =	vst v63  }
0x83: {  	_ = 	snop  }
0x84: {  	[tilespmem:s15], [sflag:$0x2] =	stream.indirect_vreg.gather [hbm4b:s3+s2], $0x80, v3, vm0, $0xb8;
	[tilespmem:$0x10100] =	vst v63  }
0x85: {  	v3 =	vld [tilespmem:$0x90];
	_ =	sdelay $0x4  }
0x86: {  	v57 =	vshll.u32 v3, $0x1  }
0x87: {  	v3 =	vand.u32 $0x7, v3;
	v4 =	vand.u32 $0xFFFFFFF0, v57  }
0x88: {  	v3 =	vor.u32 v3, v4  }
0x89: {  	v4 =	vperm.xlane v3, v0;
	_ =	sdelay $0x1  }
0x8a: {  	v3 =	vperm.xlane v3, v2;
	v4 =	vadd.s32 v1, v4;
	_ =	sdelay $0x1  }
0x8b: {  	v3 =	vadd.s32 v1, v3;
	_ =	sdelay $0x2  }
0x8c: {  	[tilespmem:s16], [sflag:$0x2] =	stream.indirect_vreg.gather [hbm4b:s3+s2], $0x80, v4, vm0, $0xb8;
	[tilespmem:$0x10100] =	vst v63  }
0x8d: {  	_ = 	snop  }
0x8e: {  	[tilespmem:s17], [sflag:$0x2] =	stream.indirect_vreg.gather [hbm4b:s3+s2], $0x80, v3, vm0, $0xb8;
	[tilespmem:$0x10100] =	vst v63  }
0x8f: {  	v3 =	vld [tilespmem:$0xA0];
	_ =	sdelay $0x4  }
0x90: {  	v58 =	vshll.u32 v3, $0x1  }
0x91: {  	v3 =	vand.u32 $0x7, v3;
	v4 =	vand.u32 $0xFFFFFFF0, v58  }
0x92: {  	v3 =	vor.u32 v3, v4  }
0x93: {  	v4 =	vperm.xlane v3, v0;
	_ =	sdelay $0x1  }
0x94: {  	v3 =	vperm.xlane v3, v2;
	v4 =	vadd.s32 v1, v4;
	_ =	sdelay $0x1  }
0x95: {  	v3 =	vadd.s32 v1, v3;
	_ =	sdelay $0x2  }
0x96: {  	[tilespmem:s18], [sflag:$0x2] =	stream.indirect_vreg.gather [hbm4b:s3+s2], $0x80, v4, vm0, $0xb8;
	[tilespmem:$0x10100] =	vst v63  }
0x97: {  	_ = 	snop  }
0x98: {  	[tilespmem:s19], [sflag:$0x2] =	stream.indirect_vreg.gather [hbm4b:s3+s2], $0x80, v3, vm0, $0xb8;
	[tilespmem:$0x10100] =	vst v63  }
0x99: {  	v3 =	vld [tilespmem:$0xB0];
	_ =	sdelay $0x4  }
0x9a: {  	v59 =	vshll.u32 v3, $0x1  }
0x9b: {  	v3 =	vand.u32 $0x7, v3;
	v4 =	vand.u32 $0xFFFFFFF0, v59  }
0x9c: {  	v3 =	vor.u32 v3, v4  }
0x9d: {  	v4 =	vperm.xlane v3, v0;
	_ =	sdelay $0x1  }
0x9e: {  	v3 =	vperm.xlane v3, v2;
	v4 =	vadd.s32 v1, v4;
	_ =	sdelay $0x1  }
0x9f: {  	v3 =	vadd.s32 v1, v3;
	_ =	sdelay $0x2  }
0xa0: {  	[tilespmem:s20], [sflag:$0x2] =	stream.indirect_vreg.gather [hbm4b:s3+s2], $0x80, v4, vm0, $0xb8;
	[tilespmem:$0x10100] =	vst v63  }
0xa1: {  	_ = 	snop  }
0xa2: {  	[tilespmem:s21], [sflag:$0x2] =	stream.indirect_vreg.gather [hbm4b:s3+s2], $0x80, v3, vm0, $0xb8;
	[tilespmem:$0x10100] =	vst v63  }
0xa3: {  	v3 =	vld [tilespmem:$0xC0];
	_ =	sdelay $0x4  }
0xa4: {  	v60 =	vshll.u32 v3, $0x1  }
0xa5: {  	v3 =	vand.u32 $0x7, v3;
	v4 =	vand.u32 $0xFFFFFFF0, v60  }
0xa6: {  	v3 =	vor.u32 v3, v4  }
0xa7: {  	v4 =	vperm.xlane v3, v0;
	_ =	sdelay $0x1  }
0xa8: {  	v3 =	vperm.xlane v3, v2;
	v4 =	vadd.s32 v1, v4;
	_ =	sdelay $0x1  }
0xa9: {  	v3 =	vadd.s32 v1, v3;
	_ =	sdelay $0x2  }
0xaa: {  	[tilespmem:s22], [sflag:$0x2] =	stream.indirect_vreg.gather [hbm4b:s3+s2], $0x80, v4, vm0, $0xb8;
	[tilespmem:$0x10100] =	vst v63  }
0xab: {  	_ = 	snop  }
0xac: {  	[tilespmem:s23], [sflag:$0x2] =	stream.indirect_vreg.gather [hbm4b:s3+s2], $0x80, v3, vm0, $0xb8;
	[tilespmem:$0x10100] =	vst v63  }
0xad: {  	v3 =	vld [tilespmem:$0xD0];
	_ =	sdelay $0x4  }
0xae: {  	v61 =	vshll.u32 v3, $0x1  }
0xaf: {  	v3 =	vand.u32 $0x7, v3;
	v4 =	vand.u32 $0xFFFFFFF0, v61  }
0xb0: {  	v3 =	vor.u32 v3, v4  }
0xb1: {  	v4 =	vperm.xlane v3, v0;
	_ =	sdelay $0x1  }
0xb2: {  	v3 =	vperm.xlane v3, v2;
	v4 =	vadd.s32 v1, v4;
	_ =	sdelay $0x1  }
0xb3: {  	v3 =	vadd.s32 v1, v3;
	_ =	sdelay $0x2  }
0xb4: {  	[tilespmem:s24], [sflag:$0x2] =	stream.indirect_vreg.gather [hbm4b:s3+s2], $0x80, v4, vm0, $0xb8;
	[tilespmem:$0x10100] =	vst v63  }
0xb5: {  	_ = 	snop  }
0xb6: {  	[tilespmem:s25], [sflag:$0x2] =	stream.indirect_vreg.gather [hbm4b:s3+s2], $0x80, v3, vm0, $0xb8;
	[tilespmem:$0x10100] =	vst v63  }
0xb7: {  	v3 =	vld [tilespmem:$0xE0];
	_ =	sdelay $0x4  }
0xb8: {  	v62 =	vshll.u32 v3, $0x1  }
0xb9: {  	v3 =	vand.u32 $0x7, v3;
	v4 =	vand.u32 $0xFFFFFFF0, v62  }
0xba: {  	v3 =	vor.u32 v3, v4  }
0xbb: {  	v4 =	vperm.xlane v3, v0;
	_ =	sdelay $0x1  }
0xbc: {  	v3 =	vperm.xlane v3, v2;
	v4 =	vadd.s32 v1, v4;
	_ =	sdelay $0x1  }
0xbd: {  	v3 =	vadd.s32 v1, v3;
	_ =	sdelay $0x2  }
0xbe: {  	[tilespmem:s26], [sflag:$0x2] =	stream.indirect_vreg.gather [hbm4b:s3+s2], $0x80, v4, vm0, $0xb8;
	[tilespmem:$0x10100] =	vst v63  }
0xbf: {  	_ = 	snop  }
0xc0: {  	[tilespmem:s28], [sflag:$0x2] =	stream.indirect_vreg.gather [hbm4b:s3+s2], $0x80, v3, vm0, $0xb8;
	[tilespmem:$0x10100] =	vst v63  }
0xc1: {  	v3 =	vld [tilespmem:$0xF0];
	_ =	sdelay $0x4  }
0xc2: {  	v63 =	vshll.u32 v3, $0x1  }
0xc3: {  	v3 =	vand.u32 $0x7, v3;
	v4 =	vand.u32 $0xFFFFFFF0, v63  }
0xc4: {  	v3 =	vor.u32 v3, v4  }
0xc5: {  	v4 =	vperm.xlane v3, v0;
	_ =	sdelay $0x1  }
0xc6: {  	v3 =	vperm.xlane v3, v2;
	v4 =	vadd.s32 v1, v4;
	_ =	sdelay $0x1  }
0xc7: {  	v3 =	vadd.s32 v1, v3;
	_ =	sdelay $0x2  }
0xc8: {  	[tilespmem:s29], [sflag:$0x2] =	stream.indirect_vreg.gather [hbm4b:s3+s2], $0x80, v4, vm0, $0xb8;
	[tilespmem:$0x10100] =	vst v63  }
0xc9: {  	_ = 	snop  }
0xca: {  	[tilespmem:s30], [sflag:$0x2] =	stream.indirect_vreg.gather [hbm4b:s3+s2], $0x80, v3, vm0, $0xb8;
	[tilespmem:$0x10100] =	vst v63  }
0xcb: {  	_ =	swait.ge [sflag:s31], $0x8000  }
0xcc: {  	[sflag:s31] =	ssyncset.done $0x0  }
0xcd: {  	s7 =	rddreg [dreg:$0x5];
	[sflag:s31] =	ssyncadd.s32 $0xFFFF8000  }
0xce: {  	[hbm4b:s7+s2] =	stream.linear.scatter [tilespmem:s6], [sflag:$0x3], $0x8000, $0x38;
	[tilespmem:$0x10100] =	vst v63  }
0xcf: {  	_ =	swait.ge [sflag:s5], $0x8000  }
0xd0: {  	[sflag:s5] =	ssyncset.done $0x0  }
0xd1: {  	[sflag:s5] =	ssyncadd.s32 $0xFFFF8000  }
0xd2: {  	_ =	swait.ge [sflag:s0], $0x8000  }
0xd3: {  	p0 =	sne.s32 s4, $0x1;
	[sflag:s0] =	ssyncset.done $0x0  }
.Ltmp0:
0xd4: {  	s7 =	rddreg [dreg:$0x6];
	[sflag:s0] =	ssyncadd.s32 $0xFFFF8000;
	(pc) =	sbr.rel @p0 .LBB2_1-.Ltmp0, $4  }
0xd5: {  	[hbm4b:s7+s2] =	stream.linear.scatter [tilespmem:s14], [sflag:$0x3], $0x8000, $0x38;
	[tilespmem:$0x10100] =	vst v63  }
0xd6: {  	_ =	swait.ge [sflag:s5], $0x8000  }
0xd7: {  	[sflag:s5] =	ssyncset.done $0x0  }
0xd8: {  	s4 =	sadd.s32 $0xFFFFFFFF, s4;
	[sflag:s5] =	ssyncadd.s32 $0xFFFF8000  }
0xd9: {  	_ =	sfence.sel $0x180000  }
0xda: {  	[bflag:$0x0] =	sbarrier.arrive $0xFFFF  }
0xdb: {  	_ =	strace $0x90000047  }
0xdc: {  	s0 =	stileid.u32;
	[bflag:$0x2] =	sbarrier.arrive $0xFFFF  }
0xdd: {  	p0 =	sne.s32 s0, $0x0;
	s0 =	rddreg [dreg:$0x2]  }
0xde: {  	s0 =	sadd.s32 @!p0 $0x100000, s0  }
0xdf: {  	[sflag:s0] =	ssyncadd.tile.s32 @!p0 $0x1;
	_ =	shalt  }
.Lfunc_end2:
_tile_overlayer_lowered:
.L_overlay_start_2:
0xe0: {  	(tag) =	ssettag $0x2  }
0xe1: {  	s0 =	rddreg [dreg:$0x0];
	s2 =	stileid.u32  }
0xe2: {  	s1 =	rddreg [dreg:$0x1];
	p0 =	sne.s32 s2, $0x0  }
0xe3: {  	s3 =	rddreg [dreg:$0x2];
	[bflag:$0x3] =	sbarrier.arrive $0xFFFF;
	s2 =	simm.s32 @!p0 $0x1C03  }
0xe4: {  	[timem:s3], [sflag:s2] =	dma.local @!p0 [hbm:s0], s1  }
0xe5: {  	s0 =	simm.s32 @!p0 $0x3  }
0xe6: {  	_ =	swait.ge @!p0 [sflag:s0], s1  }
0xe7: {  	s1 =	ssub.s32 @!p0 $0x0, s1;
	[sflag:s0] =	ssyncset.done @!p0 $0x0  }
0xe8: {  	[sflag:s0] =	ssyncadd.s32 @!p0 s1  }
0xe9: {  	[bflag:$0x3] =	sbarrier.arrive $0xFFFF  }
0xea: {  	_ =	shalt  }

</sc_bundles>
